<compile_context>
chip_gen: v7x
topology: tpu7x:2x2x1
jax: 0.10.2.dev20260603
libtpu: 0.0.44.dev20260713+nightly
codegen_flags: <defaults>
</compile_context>

<pallas_src>
import jax
import jax.numpy as jnp
from jax import lax
from jax.experimental import pallas as pl

_B = 64
_C = 384
_HW = 32
_L = _HW * _HW
_K = 256
_ZD = 256
_P = 16
_HP = _HW * _P


def _tok_kernel(x_ref, w_ref, b_ref, tk_ref, sc_ref,
                sh_ref, mask_ref, bin_ref, smap_ref):
    f32 = jnp.float32
    x = x_ref[0]
    mu = jnp.mean(x, axis=0, keepdims=True)
    xc = x - mu
    var = jnp.mean(xc * xc, axis=0, keepdims=True)
    xn = xc * lax.rsqrt(var + 1e-5)
    h = jnp.dot(w_ref[...], xn, preferred_element_type=f32) + b_ref[...]
    tkr = tk_ref[0]
    iota_t = lax.broadcasted_iota(jnp.int32, (_L, _K), 0)
    S = (iota_t == tkr).astype(f32)
    sh_ref[0] = jnp.dot(h, S, preferred_element_type=f32)
    mask_col = jnp.sum(S, axis=1, keepdims=True)
    m_lo = (lax.broadcasted_iota(jnp.int32, (_L, _HW), 0) % _HW
            == lax.broadcasted_iota(jnp.int32, (_L, _HW), 1)).astype(f32)
    a_hi = (lax.broadcasted_iota(jnp.int32, (_HW, _L), 1) // _HW
            == lax.broadcasted_iota(jnp.int32, (_HW, _L), 0)).astype(f32)
    mask2d = jnp.dot(a_hi, m_lo * mask_col, preferred_element_type=f32)
    mask_ref[0] = mask2d
    u = (lax.broadcasted_iota(jnp.int32, (_HP, _HW), 0) // _P
         == lax.broadcasted_iota(jnp.int32, (_HP, _HW), 1)).astype(f32)
    ut = (lax.broadcasted_iota(jnp.int32, (_HW, _HP), 1) // _P
          == lax.broadcasted_iota(jnp.int32, (_HW, _HP), 0)).astype(f32)
    bin_ref[0, 0] = jnp.dot(jnp.dot(u, mask2d, preferred_element_type=f32),
                            ut, preferred_element_type=f32)
    smap_ref[0, 0] = jnp.dot(jnp.dot(u, sc_ref[0], preferred_element_type=f32),
                             ut, preferred_element_type=f32)


def kernel(image_features, W_pre, b_pre):
    f32 = jnp.float32
    x3 = image_features.reshape(_B, _C, _L)
    pred_score = jax.random.normal(jax.random.key(42), (_B, _L), dtype=f32)
    sort_order = jnp.argsort(-pred_score, axis=1)
    sort_score = jnp.take_along_axis(pred_score, sort_order, axis=1)
    sort_topk = sort_order[:, :_K]
    sort_topk_remaining = sort_order[:, _K:]
    smin = pred_score.min()
    smax = pred_score.max()
    normed = (pred_score - smin) / jnp.maximum(smax - smin, 1e-5)
    score2d = normed.reshape(_B, _HW, _HW)
    tk3 = sort_topk.reshape(_B, 1, _K)
    b_col = b_pre.reshape(_ZD, 1)

    grid = (_B,)
    sample_h, mask2d, binary_map, score_map = pl.pallas_call(
        _tok_kernel,
        grid=grid,
        in_specs=[
            pl.BlockSpec((1, _C, _L), lambda b: (b, 0, 0)),
            pl.BlockSpec((_ZD, _C), lambda b: (0, 0)),
            pl.BlockSpec((_ZD, 1), lambda b: (0, 0)),
            pl.BlockSpec((1, 1, _K), lambda b: (b, 0, 0)),
            pl.BlockSpec((1, _HW, _HW), lambda b: (b, 0, 0)),
        ],
        out_specs=[
            pl.BlockSpec((1, _ZD, _K), lambda b: (b, 0, 0)),
            pl.BlockSpec((1, _HW, _HW), lambda b: (b, 0, 0)),
            pl.BlockSpec((1, 1, _HP, _HP), lambda b: (b, 0, 0, 0)),
            pl.BlockSpec((1, 1, _HP, _HP), lambda b: (b, 0, 0, 0)),
        ],
        out_shape=[
            jax.ShapeDtypeStruct((_B, _ZD, _K), f32),
            jax.ShapeDtypeStruct((_B, _HW, _HW), f32),
            jax.ShapeDtypeStruct((_B, 1, _HP, _HP), f32),
            jax.ShapeDtypeStruct((_B, 1, _HP, _HP), f32),
        ],
    )(x3, W_pre, b_col, tk3, score2d)

    mask_flat = mask2d.reshape(_B, _L)
    return (sample_h, sort_topk, sort_topk_remaining, binary_map, score_map,
            mask_flat, sort_score[:, :_K])

# --- scband reference (transcript-rebuilt; emitter-appended) ---
"""Pipeline reference for scband-random-tokenizer-88957362635159 (READ-ONLY COPY).

The authoritative reference and input builder live on the scoring server;
editing this copy changes nothing except your own understanding.
"""

import jax, jax.numpy as jnp
import numpy as np

B = 64
C_IN = 384
HW = 32
L = HW * HW
TOPK = 256
ZD = 256
P = 16


def setup_inputs(seed: int = 0) -> dict:
    key = jax.random.key(seed)
    k1, k2, k3 = jax.random.split(key, 3)
    image_features = jax.random.normal(k1, (B, C_IN, HW, HW), dtype=jnp.float32)
    W_pre = jax.random.normal(k2, (ZD, C_IN), dtype=jnp.float32) * (1.0 / np.sqrt(C_IN))
    b_pre = jnp.zeros((ZD,), dtype=jnp.float32)
    return {"image_features": image_features, "W_pre": W_pre, "b_pre": b_pre}


def reference(image_features, W_pre, b_pre):
    # rearrange B C H W -> B (H W) C
    x = jnp.transpose(image_features.reshape(B, C_IN, L), (0, 2, 1))
    # internal random scores (torch.randn in original preforward); fixed key for determinism
    pred_score = jax.random.normal(jax.random.key(42), (B, L), dtype=jnp.float32)
    # sort descending
    sort_order = jnp.argsort(-pred_score, axis=1)
    sort_score = jnp.take_along_axis(pred_score, sort_order, axis=1)
    sort_topk = sort_order[:, :TOPK]
    sort_topk_remaining = sort_order[:, TOPK:]
    # LayerNorm without affine (eps=1e-5)
    mean = x.mean(axis=-1, keepdims=True)
    var = x.var(axis=-1, keepdims=True)
    xn = (x - mean) / jnp.sqrt(var + 1e-5)
    # gather selected tokens
    idx = jnp.broadcast_to(sort_topk[:, :, None], (B, TOPK, C_IN))
    image_features_sampled = jnp.take_along_axis(xn, idx, axis=1)
    # pre_projection Linear(input_dim -> z_dim), then B N C -> B C N
    h = image_features_sampled @ W_pre.T + b_pre
    sample_h = jnp.transpose(h, (0, 2, 1))
    # scatter ones into per-sample mask
    mask_flat = jnp.zeros((B, L), dtype=jnp.float32).at[jnp.arange(B)[:, None], sort_topk].set(1.0)
    mask = mask_flat.reshape(B, HW, HW)[:, None, :, :]
    # F.interpolate nearest, scale_factor=patch_size
    binary_map = jnp.repeat(jnp.repeat(mask, P, axis=2), P, axis=3)
    smin = pred_score.min()
    smax = pred_score.max()
    normed = (pred_score - smin) / jnp.maximum(smax - smin, 1e-5)
    score_small = normed.reshape(B, HW, HW)[:, None, :, :]
    score_map = jnp.repeat(jnp.repeat(score_small, P, axis=2), P, axis=3)
    return (sample_h, sort_topk, sort_topk_remaining, binary_map, score_map, mask_flat, sort_score[:, :TOPK])

if __name__ == "__main__":
    import jax
    _d = setup_inputs()
    print(jax.jit(kernel)(*tuple(_d.values())))

</pallas_src>

<mosaic_0001>
module attributes {stable_mosaic.version = 14 : i64} {
  func.func @_tok_kernel(%arg0: i32, %arg1: memref<1x384x1024xf32, #tpu.memory_space<vmem>>, %arg2: memref<256x384xf32, #tpu.memory_space<vmem>>, %arg3: memref<256x1xf32, #tpu.memory_space<vmem>>, %arg4: memref<1x1x256xi32, #tpu.memory_space<vmem>>, %arg5: memref<1x32x32xf32, #tpu.memory_space<vmem>>, %arg6: memref<1x256x256xf32, #tpu.memory_space<vmem>>, %arg7: memref<1x32x32xf32, #tpu.memory_space<vmem>>, %arg8: memref<1x1x512x512xf32, #tpu.memory_space<vmem>>, %arg9: memref<1x1x512x512xf32, #tpu.memory_space<vmem>>) attributes {dimension_semantics = [#tpu.dimension_semantics<arbitrary>], iteration_bounds = array<i64: 64>, scalar_prefetch = 0 : i64, scratch_operands = 0 : i64, tpu.core_type = #tpu.core_type<tc>, window_params = [{transform_indices = @transform_0, window_bounds = array<i64: 1, 384, 1024>}, {pipeline_mode = #tpu.pipeline_mode<synchronous>, transform_indices = @transform_1, window_bounds = array<i64: 256, 384>}, {pipeline_mode = #tpu.pipeline_mode<synchronous>, transform_indices = @transform_2, window_bounds = array<i64: 256, 1>}, {transform_indices = @transform_3, window_bounds = array<i64: 1, 1, 256>}, {transform_indices = @transform_4, window_bounds = array<i64: 1, 32, 32>}, {transform_indices = @transform_5, window_bounds = array<i64: 1, 256, 256>}, {transform_indices = @transform_6, window_bounds = array<i64: 1, 32, 32>}, {transform_indices = @transform_7, window_bounds = array<i64: 1, 1, 512, 512>}, {transform_indices = @transform_8, window_bounds = array<i64: 1, 1, 512, 512>}]} {
    %get3A = arith.constant 0 : index
    %get3A_0 = arith.constant 0 : index
    %get3A_1 = arith.constant 0 : index
    %get3A_2 = vector.load %arg1[%get3A, %get3A_0, %get3A_1] : memref<1x384x1024xf32, #tpu.memory_space<vmem>>, vector<1x384x1024xf32>
    %get3A_3 = vector.shape_cast %get3A_2 : vector<1x384x1024xf32> to vector<384x1024xf32>
    %reduce_sum3A = arith.constant dense<0.000000e+00> : vector<1024xf32>
    %reduce_sum3A_4 = vector.multi_reduction <add>, %get3A_3, %reduce_sum3A [0] : vector<384x1024xf32> to vector<1024xf32>
    %broadcast_in_dim3A = vector.shape_cast %reduce_sum3A_4 : vector<1024xf32> to vector<1x1024xf32>
    %div3A = arith.constant 3.840000e+02 : f32
    %div3A_5 = vector.broadcast %div3A : f32 to vector<1x1024xf32>
    %div3A_6 = arith.divf %broadcast_in_dim3A, %div3A_5 : vector<1x1024xf32>
    %sub3A = vector.broadcast %div3A_6 : vector<1x1024xf32> to vector<384x1024xf32>
    %sub3A_7 = arith.subf %get3A_3, %sub3A : vector<384x1024xf32>
    %mul3A = arith.mulf %sub3A_7, %sub3A_7 : vector<384x1024xf32>
    %reduce_sum3A_8 = arith.constant dense<0.000000e+00> : vector<1024xf32>
    %reduce_sum3A_9 = vector.multi_reduction <add>, %mul3A, %reduce_sum3A_8 [0] : vector<384x1024xf32> to vector<1024xf32>
    %broadcast_in_dim3A_10 = vector.shape_cast %reduce_sum3A_9 : vector<1024xf32> to vector<1x1024xf32>
    %div3A_11 = arith.constant 3.840000e+02 : f32
    %div3A_12 = vector.broadcast %div3A_11 : f32 to vector<1x1024xf32>
    %div3A_13 = arith.divf %broadcast_in_dim3A_10, %div3A_12 : vector<1x1024xf32>
    %add3A = arith.constant 9.99999974E-6 : f32
    %add3A_14 = vector.broadcast %add3A : f32 to vector<1x1024xf32>
    %add3A_15 = arith.addf %div3A_13, %add3A_14 : vector<1x1024xf32>
    %rsqrt3A = math.rsqrt %add3A_15 : vector<1x1024xf32>
    %mul3A_16 = vector.broadcast %rsqrt3A : vector<1x1024xf32> to vector<384x1024xf32>
    %mul3A_17 = arith.mulf %sub3A_7, %mul3A_16 : vector<384x1024xf32>
    %get3A_18 = arith.constant 0 : index
    %get3A_19 = arith.constant 0 : index
    %get3A_20 = vector.load %arg2[%get3A_18, %get3A_19] : memref<256x384xf32, #tpu.memory_space<vmem>>, vector<256x384xf32>
    %dot_general3A = arith.constant dense<0.000000e+00> : vector<256x1024xf32>
    %dot_general3A_21 = tpu.matmul %get3A_20, %mul3A_17, %dot_general3A {dimension_numbers = #tpu.dot_dimension_numbers<[1], [0], [0], [1], [0, 0, 1, 1], [], []>, transpose_lhs_hint = false} : vector<256x384xf32>, vector<384x1024xf32>, vector<256x1024xf32> -> vector<256x1024xf32>
    %get3A_22 = arith.constant 0 : index
    %get3A_23 = arith.constant 0 : index
    %get3A_24 = vector.load %arg3[%get3A_22, %get3A_23] : memref<256x1xf32, #tpu.memory_space<vmem>>, vector<256x1xf32>
    %add3A_25 = vector.broadcast %get3A_24 : vector<256x1xf32> to vector<256x1024xf32>
    %add3A_26 = arith.addf %dot_general3A_21, %add3A_25 : vector<256x1024xf32>
    %get3A_27 = arith.constant 0 : index
    %get3A_28 = arith.constant 0 : index
    %get3A_29 = arith.constant 0 : index
    %get3A_30 = vector.load %arg4[%get3A_27, %get3A_28, %get3A_29] : memref<1x1x256xi32, #tpu.memory_space<vmem>>, vector<1x1x256xi32>
    %get3A_31 = vector.shape_cast %get3A_30 : vector<1x1x256xi32> to vector<1x256xi32>
    %iota3A = tpu.iota {dimensions = array<i32: 0>} : vector<1024x256xi32>
    %eq3A = vector.broadcast %get3A_31 : vector<1x256xi32> to vector<1024x256xi32>
    %eq3A_32 = arith.cmpi eq, %iota3A, %eq3A : vector<1024x256xi32>
    %convert_element_type3A = arith.extui %eq3A_32 : vector<1024x256xi1> to vector<1024x256xi32>
    %convert_element_type3A_33 = arith.sitofp %convert_element_type3A : vector<1024x256xi32> to vector<1024x256xf32>
    %dot_general3A_34 = arith.constant dense<0.000000e+00> : vector<256x256xf32>
    %dot_general3A_35 = tpu.matmul %add3A_26, %convert_element_type3A_33, %dot_general3A_34 {dimension_numbers = #tpu.dot_dimension_numbers<[1], [0], [0], [1], [0, 0, 1, 1], [], []>, transpose_lhs_hint = false} : vector<256x1024xf32>, vector<1024x256xf32>, vector<256x256xf32> -> vector<256x256xf32>
    %swap3A = arith.constant 0 : index
    %swap3A_36 = arith.constant 0 : index
    %swap3A_37 = arith.constant 0 : index
    %swap3A_38 = vector.load %arg6[%swap3A, %swap3A_36, %swap3A_37] : memref<1x256x256xf32, #tpu.memory_space<vmem>>, vector<1x256x256xf32>
    %swap3A_39 = vector.shape_cast %swap3A_38 : vector<1x256x256xf32> to vector<256x256xf32>
    %swap3A_40 = vector.shape_cast %dot_general3A_35 : vector<256x256xf32> to vector<1x256x256xf32>
    tpu.vector_store %arg6[%swap3A, %swap3A_36, %swap3A_37], %swap3A_40 {strides = array<i32>} : memref<1x256x256xf32, #tpu.memory_space<vmem>>, vector<1x256x256xf32>,
    %reduce_sum3A_41 = arith.constant dense<0.000000e+00> : vector<1024xf32>
    %reduce_sum3A_42 = vector.multi_reduction <add>, %convert_element_type3A_33, %reduce_sum3A_41 [1] : vector<1024x256xf32> to vector<1024xf32>
    %broadcast_in_dim3A_43 = vector.shape_cast %reduce_sum3A_42 : vector<1024xf32> to vector<1024x1xf32>
    %iota3A_44 = tpu.iota {dimensions = array<i32: 0>} : vector<1024x32xi32>
    %jit3A = arith.constant 32 : i32
    %eq3A_45 = arith.constant 0 : i32
    %eq3A_46 = arith.cmpi eq, %jit3A, %eq3A_45 : i32
    %jit3A_47 = arith.constant 1 : i32
    %select_n3A = arith.select %eq3A_46, %jit3A_47, %jit3A : i32
    %rem3A = vector.broadcast %select_n3A : i32 to vector<1024x32xi32>
    %rem3A_48 = arith.remsi %iota3A_44, %rem3A : vector<1024x32xi32>
    %ne3A = arith.constant 0 : i32
    %ne3A_49 = vector.broadcast %ne3A : i32 to vector<1024x32xi32>
    %ne3A_50 = arith.cmpi ne, %rem3A_48, %ne3A_49 : vector<1024x32xi32>
    %lt3A = arith.constant 0 : i32
    %lt3A_51 = vector.broadcast %lt3A : i32 to vector<1024x32xi32>
    %lt3A_52 = arith.cmpi slt, %rem3A_48, %lt3A_51 : vector<1024x32xi32>
    %lt3A_53 = arith.constant 0 : i32
    %lt3A_54 = arith.cmpi slt, %select_n3A, %lt3A_53 : i32
    %ne3A_55 = vector.broadcast %lt3A_54 : i1 to vector<1024x32xi1>
    %ne3A_56 = vector.broadcast %ne3A_55 : vector<1024x32xi1> to vector<1024x32xi1>
    %ne3A_57 = arith.xori %lt3A_52, %ne3A_56 : vector<1024x32xi1>
    %and3A = arith.andi %ne3A_57, %ne3A_50 : vector<1024x32xi1>
    %add3A_58 = vector.broadcast %select_n3A : i32 to vector<1024x32xi32>
    %add3A_59 = arith.addi %rem3A_48, %add3A_58 : vector<1024x32xi32>
    %select_n3A_60 = arith.select %and3A, %add3A_59, %rem3A_48 : vector<1024x32xi1>, vector<1024x32xi32>
    %iota3A_61 = tpu.iota {dimensions = array<i32: 1>} : vector<1024x32xi32>
    %eq3A_62 = arith.cmpi eq, %select_n3A_60, %iota3A_61 : vector<1024x32xi32>
    %convert_element_type3A_63 = arith.extui %eq3A_62 : vector<1024x32xi1> to vector<1024x32xi32>
    %convert_element_type3A_64 = arith.sitofp %convert_element_type3A_63 : vector<1024x32xi32> to vector<1024x32xf32>
    %iota3A_65 = tpu.iota {dimensions = array<i32: 1>} : vector<32x1024xi32>
    %jit3A_66 = arith.constant 32 : i32
    %div3A_67 = vector.broadcast %jit3A_66 : i32 to vector<32x1024xi32>
    %div3A_68 = arith.divsi %iota3A_65, %div3A_67 : vector<32x1024xi32>
    %sign3A = arith.constant 0 : i32
    %sign3A_69 = vector.broadcast %sign3A : i32 to vector<32x1024xi32>
    %sign3A_70 = arith.cmpi sgt, %iota3A_65, %sign3A_69 : vector<32x1024xi32>
    %sign3A_71 = arith.extui %sign3A_70 : vector<32x1024xi1> to vector<32x1024xi32>
    %sign3A_72 = arith.constant 0 : i32
    %sign3A_73 = vector.broadcast %sign3A_72 : i32 to vector<32x1024xi32>
    %sign3A_74 = arith.cmpi slt, %iota3A_65, %sign3A_73 : vector<32x1024xi32>
    %sign3A_75 = arith.extui %sign3A_74 : vector<32x1024xi1> to vector<32x1024xi32>
    %sign3A_76 = arith.subi %sign3A_71, %sign3A_75 : vector<32x1024xi32>
    %sign3A_77 = arith.constant 0 : i32
    %sign3A_78 = arith.cmpi sgt, %jit3A_66, %sign3A_77 : i32
    %sign3A_79 = arith.extui %sign3A_78 : i1 to i32
    %sign3A_80 = arith.constant 0 : i32
    %sign3A_81 = arith.cmpi slt, %jit3A_66, %sign3A_80 : i32
    %sign3A_82 = arith.extui %sign3A_81 : i1 to i32
    %sign3A_83 = arith.subi %sign3A_79, %sign3A_82 : i32
    %ne3A_84 = vector.broadcast %sign3A_83 : i32 to vector<32x1024xi32>
    %ne3A_85 = arith.cmpi ne, %sign3A_76, %ne3A_84 : vector<32x1024xi32>
    %rem3A_86 = vector.broadcast %jit3A_66 : i32 to vector<32x1024xi32>
    %rem3A_87 = arith.remsi %iota3A_65, %rem3A_86 : vector<32x1024xi32>
    %ne3A_88 = arith.constant 0 : i32
    %ne3A_89 = vector.broadcast %ne3A_88 : i32 to vector<32x1024xi32>
    %ne3A_90 = arith.cmpi ne, %rem3A_87, %ne3A_89 : vector<32x1024xi32>
    %and3A_91 = arith.andi %ne3A_85, %ne3A_90 : vector<32x1024xi1>
    %sub3A_92 = arith.constant 1 : i32
    %sub3A_93 = vector.broadcast %sub3A_92 : i32 to vector<32x1024xi32>
    %sub3A_94 = arith.subi %div3A_68, %sub3A_93 : vector<32x1024xi32>
    %select_n3A_95 = arith.select %and3A_91, %sub3A_94, %div3A_68 : vector<32x1024xi1>, vector<32x1024xi32>
    %iota3A_96 = tpu.iota {dimensions = array<i32: 0>} : vector<32x1024xi32>
    %eq3A_97 = arith.cmpi eq, %select_n3A_95, %iota3A_96 : vector<32x1024xi32>
    %convert_element_type3A_98 = arith.extui %eq3A_97 : vector<32x1024xi1> to vector<32x1024xi32>
    %convert_element_type3A_99 = arith.sitofp %convert_element_type3A_98 : vector<32x1024xi32> to vector<32x1024xf32>
    %mul3A_100 = vector.broadcast %broadcast_in_dim3A_43 : vector<1024x1xf32> to vector<1024x32xf32>
    %mul3A_101 = arith.mulf %convert_element_type3A_64, %mul3A_100 : vector<1024x32xf32>
    %dot_general3A_102 = arith.constant dense<0.000000e+00> : vector<32x32xf32>
    %dot_general3A_103 = tpu.matmul %convert_element_type3A_99, %mul3A_101, %dot_general3A_102 {dimension_numbers = #tpu.dot_dimension_numbers<[1], [0], [0], [1], [0, 0, 1, 1], [], []>, transpose_lhs_hint = false} : vector<32x1024xf32>, vector<1024x32xf32>, vector<32x32xf32> -> vector<32x32xf32>
    %swap3A_104 = arith.constant 0 : index
    %swap3A_105 = arith.constant 0 : index
    %swap3A_106 = arith.constant 0 : index
    %swap3A_107 = vector.load %arg7[%swap3A_104, %swap3A_105, %swap3A_106] : memref<1x32x32xf32, #tpu.memory_space<vmem>>, vector<1x32x32xf32>
    %swap3A_108 = vector.shape_cast %swap3A_107 : vector<1x32x32xf32> to vector<32x32xf32>
    %swap3A_109 = vector.shape_cast %dot_general3A_103 : vector<32x32xf32> to vector<1x32x32xf32>
    tpu.vector_store %arg7[%swap3A_104, %swap3A_105, %swap3A_106], %swap3A_109 {strides = array<i32>} : memref<1x32x32xf32, #tpu.memory_space<vmem>>, vector<1x32x32xf32>,
    %iota3A_110 = tpu.iota {dimensions = array<i32: 0>} : vector<512x32xi32>
    %jit3A_111 = arith.constant 16 : i32
    %div3A_112 = vector.broadcast %jit3A_111 : i32 to vector<512x32xi32>
    %div3A_113 = arith.divsi %iota3A_110, %div3A_112 : vector<512x32xi32>
    %sign3A_114 = arith.constant 0 : i32
    %sign3A_115 = vector.broadcast %sign3A_114 : i32 to vector<512x32xi32>
    %sign3A_116 = arith.cmpi sgt, %iota3A_110, %sign3A_115 : vector<512x32xi32>
    %sign3A_117 = arith.extui %sign3A_116 : vector<512x32xi1> to vector<512x32xi32>
    %sign3A_118 = arith.constant 0 : i32
    %sign3A_119 = vector.broadcast %sign3A_118 : i32 to vector<512x32xi32>
    %sign3A_120 = arith.cmpi slt, %iota3A_110, %sign3A_119 : vector<512x32xi32>
    %sign3A_121 = arith.extui %sign3A_120 : vector<512x32xi1> to vector<512x32xi32>
    %sign3A_122 = arith.subi %sign3A_117, %sign3A_121 : vector<512x32xi32>
    %sign3A_123 = arith.constant 0 : i32
    %sign3A_124 = arith.cmpi sgt, %jit3A_111, %sign3A_123 : i32
    %sign3A_125 = arith.extui %sign3A_124 : i1 to i32
    %sign3A_126 = arith.constant 0 : i32
    %sign3A_127 = arith.cmpi slt, %jit3A_111, %sign3A_126 : i32
    %sign3A_128 = arith.extui %sign3A_127 : i1 to i32
    %sign3A_129 = arith.subi %sign3A_125, %sign3A_128 : i32
    %ne3A_130 = vector.broadcast %sign3A_129 : i32 to vector<512x32xi32>
    %ne3A_131 = arith.cmpi ne, %sign3A_122, %ne3A_130 : vector<512x32xi32>
    %rem3A_132 = vector.broadcast %jit3A_111 : i32 to vector<512x32xi32>
    %rem3A_133 = arith.remsi %iota3A_110, %rem3A_132 : vector<512x32xi32>
    %ne3A_134 = arith.constant 0 : i32
    %ne3A_135 = vector.broadcast %ne3A_134 : i32 to vector<512x32xi32>
    %ne3A_136 = arith.cmpi ne, %rem3A_133, %ne3A_135 : vector<512x32xi32>
    %and3A_137 = arith.andi %ne3A_131, %ne3A_136 : vector<512x32xi1>
    %sub3A_138 = arith.constant 1 : i32
    %sub3A_139 = vector.broadcast %sub3A_138 : i32 to vector<512x32xi32>
    %sub3A_140 = arith.subi %div3A_113, %sub3A_139 : vector<512x32xi32>
    %select_n3A_141 = arith.select %and3A_137, %sub3A_140, %div3A_113 : vector<512x32xi1>, vector<512x32xi32>
    %iota3A_142 = tpu.iota {dimensions = array<i32: 1>} : vector<512x32xi32>
    %eq3A_143 = arith.cmpi eq, %select_n3A_141, %iota3A_142 : vector<512x32xi32>
    %convert_element_type3A_144 = arith.extui %eq3A_143 : vector<512x32xi1> to vector<512x32xi32>
    %convert_element_type3A_145 = arith.sitofp %convert_element_type3A_144 : vector<512x32xi32> to vector<512x32xf32>
    %iota3A_146 = tpu.iota {dimensions = array<i32: 1>} : vector<32x512xi32>
    %jit3A_147 = arith.constant 16 : i32
    %div3A_148 = vector.broadcast %jit3A_147 : i32 to vector<32x512xi32>
    %div3A_149 = arith.divsi %iota3A_146, %div3A_148 : vector<32x512xi32>
    %sign3A_150 = arith.constant 0 : i32
    %sign3A_151 = vector.broadcast %sign3A_150 : i32 to vector<32x512xi32>
    %sign3A_152 = arith.cmpi sgt, %iota3A_146, %sign3A_151 : vector<32x512xi32>
    %sign3A_153 = arith.extui %sign3A_152 : vector<32x512xi1> to vector<32x512xi32>
    %sign3A_154 = arith.constant 0 : i32
    %sign3A_155 = vector.broadcast %sign3A_154 : i32 to vector<32x512xi32>
    %sign3A_156 = arith.cmpi slt, %iota3A_146, %sign3A_155 : vector<32x512xi32>
    %sign3A_157 = arith.extui %sign3A_156 : vector<32x512xi1> to vector<32x512xi32>
    %sign3A_158 = arith.subi %sign3A_153, %sign3A_157 : vector<32x512xi32>
    %sign3A_159 = arith.constant 0 : i32
    %sign3A_160 = arith.cmpi sgt, %jit3A_147, %sign3A_159 : i32
    %sign3A_161 = arith.extui %sign3A_160 : i1 to i32
    %sign3A_162 = arith.constant 0 : i32
    %sign3A_163 = arith.cmpi slt, %jit3A_147, %sign3A_162 : i32
    %sign3A_164 = arith.extui %sign3A_163 : i1 to i32
    %sign3A_165 = arith.subi %sign3A_161, %sign3A_164 : i32
    %ne3A_166 = vector.broadcast %sign3A_165 : i32 to vector<32x512xi32>
    %ne3A_167 = arith.cmpi ne, %sign3A_158, %ne3A_166 : vector<32x512xi32>
    %rem3A_168 = vector.broadcast %jit3A_147 : i32 to vector<32x512xi32>
    %rem3A_169 = arith.remsi %iota3A_146, %rem3A_168 : vector<32x512xi32>
    %ne3A_170 = arith.constant 0 : i32
    %ne3A_171 = vector.broadcast %ne3A_170 : i32 to vector<32x512xi32>
    %ne3A_172 = arith.cmpi ne, %rem3A_169, %ne3A_171 : vector<32x512xi32>
    %and3A_173 = arith.andi %ne3A_167, %ne3A_172 : vector<32x512xi1>
    %sub3A_174 = arith.constant 1 : i32
    %sub3A_175 = vector.broadcast %sub3A_174 : i32 to vector<32x512xi32>
    %sub3A_176 = arith.subi %div3A_149, %sub3A_175 : vector<32x512xi32>
    %select_n3A_177 = arith.select %and3A_173, %sub3A_176, %div3A_149 : vector<32x512xi1>, vector<32x512xi32>
    %iota3A_178 = tpu.iota {dimensions = array<i32: 0>} : vector<32x512xi32>
    %eq3A_179 = arith.cmpi eq, %select_n3A_177, %iota3A_178 : vector<32x512xi32>
    %convert_element_type3A_180 = arith.extui %eq3A_179 : vector<32x512xi1> to vector<32x512xi32>
    %convert_element_type3A_181 = arith.sitofp %convert_element_type3A_180 : vector<32x512xi32> to vector<32x512xf32>
    %dot_general3A_182 = arith.constant dense<0.000000e+00> : vector<512x32xf32>
    %dot_general3A_183 = tpu.matmul %convert_element_type3A_145, %dot_general3A_103, %dot_general3A_182 {dimension_numbers = #tpu.dot_dimension_numbers<[1], [0], [0], [1], [0, 0, 1, 1], [], []>, transpose_lhs_hint = false} : vector<512x32xf32>, vector<32x32xf32>, vector<512x32xf32> -> vector<512x32xf32>
    %dot_general3A_184 = arith.constant dense<0.000000e+00> : vector<512x512xf32>
    %dot_general3A_185 = tpu.matmul %dot_general3A_183, %convert_element_type3A_181, %dot_general3A_184 {dimension_numbers = #tpu.dot_dimension_numbers<[1], [0], [0], [1], [0, 0, 1, 1], [], []>, transpose_lhs_hint = false} : vector<512x32xf32>, vector<32x512xf32>, vector<512x512xf32> -> vector<512x512xf32>
    %swap3A_186 = arith.constant 0 : index
    %swap3A_187 = arith.constant 0 : index
    %swap3A_188 = arith.constant 0 : index
    %swap3A_189 = arith.constant 0 : index
    %swap3A_190 = vector.load %arg8[%swap3A_186, %swap3A_187, %swap3A_188, %swap3A_189] : memref<1x1x512x512xf32, #tpu.memory_space<vmem>>, vector<1x1x512x512xf32>
    %swap3A_191 = vector.shape_cast %swap3A_190 : vector<1x1x512x512xf32> to vector<512x512xf32>
    %swap3A_192 = vector.shape_cast %dot_general3A_185 : vector<512x512xf32> to vector<1x1x512x512xf32>
    tpu.vector_store %arg8[%swap3A_186, %swap3A_187, %swap3A_188, %swap3A_189], %swap3A_192 {strides = array<i32>} : memref<1x1x512x512xf32, #tpu.memory_space<vmem>>, vector<1x1x512x512xf32>,
    %get3A_193 = arith.constant 0 : index
    %get3A_194 = arith.constant 0 : index
    %get3A_195 = arith.constant 0 : index
    %get3A_196 = vector.load %arg5[%get3A_193, %get3A_194, %get3A_195] : memref<1x32x32xf32, #tpu.memory_space<vmem>>, vector<1x32x32xf32>
    %get3A_197 = vector.shape_cast %get3A_196 : vector<1x32x32xf32> to vector<32x32xf32>
    %dot_general3A_198 = arith.constant dense<0.000000e+00> : vector<512x32xf32>
    %dot_general3A_199 = tpu.matmul %convert_element_type3A_145, %get3A_197, %dot_general3A_198 {dimension_numbers = #tpu.dot_dimension_numbers<[1], [0], [0], [1], [0, 0, 1, 1], [], []>, transpose_lhs_hint = false} : vector<512x32xf32>, vector<32x32xf32>, vector<512x32xf32> -> vector<512x32xf32>
    %dot_general3A_200 = arith.constant dense<0.000000e+00> : vector<512x512xf32>
    %dot_general3A_201 = tpu.matmul %dot_general3A_199, %convert_element_type3A_181, %dot_general3A_200 {dimension_numbers = #tpu.dot_dimension_numbers<[1], [0], [0], [1], [0, 0, 1, 1], [], []>, transpose_lhs_hint = false} : vector<512x32xf32>, vector<32x512xf32>, vector<512x512xf32> -> vector<512x512xf32>
    %swap3A_202 = arith.constant 0 : index
    %swap3A_203 = arith.constant 0 : index
    %swap3A_204 = arith.constant 0 : index
    %swap3A_205 = arith.constant 0 : index
    %swap3A_206 = vector.load %arg9[%swap3A_202, %swap3A_203, %swap3A_204, %swap3A_205] : memref<1x1x512x512xf32, #tpu.memory_space<vmem>>, vector<1x1x512x512xf32>
    %swap3A_207 = vector.shape_cast %swap3A_206 : vector<1x1x512x512xf32> to vector<512x512xf32>
    %swap3A_208 = vector.shape_cast %dot_general3A_201 : vector<512x512xf32> to vector<1x1x512x512xf32>
    tpu.vector_store %arg9[%swap3A_202, %swap3A_203, %swap3A_204, %swap3A_205], %swap3A_208 {strides = array<i32>} : memref<1x1x512x512xf32, #tpu.memory_space<vmem>>, vector<1x1x512x512xf32>,
    return
  }
  func.func @transform_0(%arg0: i32) -> (i32, i32, i32) {
    %c0_i32 = arith.constant 0 : i32
    %c0_i32_0 = arith.constant 0 : i32
    %c0_i32_1 = arith.constant 0 : i32
    return %arg0, %c0_i32, %c0_i32_0 : i32, i32, i32
  }
  func.func @transform_1(%arg0: i32) -> (i32, i32) {
    %c0_i32 = arith.constant 0 : i32
    %c0_i32_0 = arith.constant 0 : i32
    %c0_i32_1 = arith.constant 0 : i32
    return %c0_i32, %c0_i32_0 : i32, i32
  }
  func.func @transform_2(%arg0: i32) -> (i32, i32) {
    %c0_i32 = arith.constant 0 : i32
    %c0_i32_0 = arith.constant 0 : i32
    %c0_i32_1 = arith.constant 0 : i32
    return %c0_i32, %c0_i32_0 : i32, i32
  }
  func.func @transform_3(%arg0: i32) -> (i32, i32, i32) {
    %c0_i32 = arith.constant 0 : i32
    %c0_i32_0 = arith.constant 0 : i32
    %c0_i32_1 = arith.constant 0 : i32
    return %arg0, %c0_i32, %c0_i32_0 : i32, i32, i32
  }
  func.func @transform_4(%arg0: i32) -> (i32, i32, i32) {
    %c0_i32 = arith.constant 0 : i32
    %c0_i32_0 = arith.constant 0 : i32
    %c0_i32_1 = arith.constant 0 : i32
    return %arg0, %c0_i32, %c0_i32_0 : i32, i32, i32
  }
  func.func @transform_5(%arg0: i32) -> (i32, i32, i32) {
    %c0_i32 = arith.constant 0 : i32
    %c0_i32_0 = arith.constant 0 : i32
    %c0_i32_1 = arith.constant 0 : i32
    return %arg0, %c0_i32, %c0_i32_0 : i32, i32, i32
  }
  func.func @transform_6(%arg0: i32) -> (i32, i32, i32) {
    %c0_i32 = arith.constant 0 : i32
    %c0_i32_0 = arith.constant 0 : i32
    %c0_i32_1 = arith.constant 0 : i32
    return %arg0, %c0_i32, %c0_i32_0 : i32, i32, i32
  }
  func.func @transform_7(%arg0: i32) -> (i32, i32, i32, i32) {
    %c0_i32 = arith.constant 0 : i32
    %c0_i32_0 = arith.constant 0 : i32
    %c0_i32_1 = arith.constant 0 : i32
    %c0_i32_2 = arith.constant 0 : i32
    return %arg0, %c0_i32, %c0_i32_0, %c0_i32_1 : i32, i32, i32, i32
  }
  func.func @transform_8(%arg0: i32) -> (i32, i32, i32, i32) {
    %c0_i32 = arith.constant 0 : i32
    %c0_i32_0 = arith.constant 0 : i32
    %c0_i32_1 = arith.constant 0 : i32
    %c0_i32_2 = arith.constant 0 : i32
    return %arg0, %c0_i32, %c0_i32_0, %c0_i32_1 : i32, i32, i32, i32
  }
}

</mosaic_0001>

<sc_bundles>
// kernel: gather_offload_async_start
scs
__scs_entry_jumppad:
0x0: {  	(pc) =	sbr.rel $0x88, $3  }
0x1: {  	(tag) =	ssettag $0x0;
	lr =	simm.s32 $0x1  }
0x2: {  	[smem:$0x3F9E] =	sst lr;
	_ =	strace $0xD0000000  }
0x3: {  	_ = 	snop  }
0x4: {  	_ = 	snop  }
0x5: {  	_ = 	snop  }
0x6: {  	_ = 	snop  }
0x7: {  	_ = 	snop  }
__scs_overlays_trampoline_lowered:
0x8: {  	[smem:$0x3FAD] =	sst s0  }
0x9: {  	[smem:$0x3FAE] =	sst s1  }
0xa: {  	[smem:$0x3FAF] =	sst s2  }
0xb: {  	[smem:$0x3FB0] =	sst s3  }
0xc: {  	[smem:$0x3FB1] =	sst s4  }
0xd: {  	[smem:$0x3FB2] =	sst s5  }
0xe: {  	[smem:$0x3FB3] =	sst s6  }
0xf: {  	[smem:$0x3FB4] =	sst s7  }
0x10: {  	[smem:$0x3FB5] =	sst s8  }
0x11: {  	[smem:$0x3FB6] =	sst s9;
	s0 =	simm.s32 @!p0 $0x0  }
0x12: {  	s1 =	sld [smem:$0x3F9C];
	s0 =	simm.s32 @p0 $0x1  }
0x13: {  	[smem:$0x3FB7] =	sst s0;
	s0 =	simm.s32 @!p1 $0x0  }
0x14: {  	s2 =	sld [smem:$0x3F9B];
	s0 =	simm.s32 @p1 $0x1  }
0x15: {  	[smem:$0x3FB8] =	sst s0;
	s0 =	simm.s32 @!p2 $0x0  }
0x16: {  	s3 =	sld [smem:$0x3FDB];
	s0 =	simm.s32 @p2 $0x1  }
0x17: {  	s4 =	simm.s32 $0x1BF5;
	[smem:$0x3FBA] =	sst s0  }
0x18: {  	s0 =	sld [smem:$0x3F9D];
	_ =	swait.ge [sflag:s4], $0x0  }
0x19: {  	s7 =	sld [smem:$0x3F9E]  }
0x1a: {  	s8 =	sadd.s32 $0xFFFFE003, lr  }
0x1b: {  	s9 =	sadd.s32 $0xFFFFFEF7, lr;
	s5 =	simm.s32 $0xFFFFFFFF;
	p2 =	slt.u32 s8, $0xFFFFF086  }
0x1c: {  	p1 =	slt.u32 s9, $0xF7A;
	s5 =	simm.s32 @!p2 $0x0  }
0x1d: {  	s5 =	simm.s32 @p1 $0x1;
	p0 =	seq.s32 s7, s2  }
0x1e: {  	s7 =	smul.u32 @!p0 $0xF7A, s2;
	p2 =	seq.s32 @!p0 s5, $0x0  }
0x1f: {  	s9 =	smul.u32 $0xF7A, s1;
	s8 =	simm.s32 @!p0 $0x1BF5;
	p2 =	por !p2, p0  }
0x20: {  	[sflag:s8] =	ssyncset.s32 @!p0 $0xFFFFF086;
	s6 =	sadd.s32 @!p0 s3, s7;
	s7 =	simm.s32 @!p0 $0x108  }
0x21: {  	s3 =	sadd.s32 s3, s9;
	s6 =	sadd.s32 @!p0 $0x88, s6;
	s7 =	simm.s32 @p2 $0x1082  }
0x22: {  	[simem:s7], [sflag:s8] =	dma.local @!p0 [hbm:s6], $0xF7A  }
0x23: {  	s9 =	sor.u32 $0xD0000000, s2;
	s6 =	simm.s32 $0x108;
	_ =	swait.ge @!p0 [sflag:s8], $0x0  }
0x24: {  	s3 =	sadd.s32 $0x88, s3;
	s6 =	simm.s32 @!p1 $0x1082;
	[sflag:s4] =	ssyncset.s32 $0xFFFFF086  }
0x25: {  	[simem:s6], [sflag:s4] =	dma.local [hbm:s3], $0xF7A  }
0x26: {  	[smem:$0x3F9E] =	sst s1;
	(tag) =	ssettag s2;
	_ =	strace s9  }
0x27: {  	s1 =	sld [smem:$0x3FAE]  }
0x28: {  	s2 =	sld [smem:$0x3FAF]  }
0x29: {  	s4 =	sld [smem:$0x3FB1]  }
0x2a: {  	p0 =	seq.s32 s5, $0x0;
	s5 =	sld [smem:$0x3FB2]  }
0x2b: {  	s6 =	sld [smem:$0x3FB3]  }
0x2c: {  	s7 =	sld [smem:$0x3FB4]  }
0x2d: {  	s3 =	simm.s32 $0x108;
	s8 =	sld [smem:$0x3FB5]  }
0x2e: {  	s3 =	simm.s32 @!p0 $0x1082;
	s9 =	sld [smem:$0x3FB6]  }
0x2f: {  	lr =	sadd.s32 s0, s3;
	s0 =	sld [smem:$0x3FAD]  }
0x30: {  	s3 =	sld [smem:$0x3FB0]  }
0x31: {  	[smem:$0x3FB9] =	sst s10  }
0x32: {  	s10 =	sld [smem:$0x3FB7];
	_ =	sdelay $0x3  }
0x33: {  	p0 =	seq.s32 s10, $0x1;
	s10 =	sld [smem:$0x3FB9];
	_ =	sdelay $0x3  }
0x34: {  	[smem:$0x3FB9] =	sst s10  }
0x35: {  	s10 =	sld [smem:$0x3FB8];
	_ =	sdelay $0x3  }
0x36: {  	p1 =	seq.s32 s10, $0x1;
	s10 =	sld [smem:$0x3FB9];
	_ =	sdelay $0x3  }
0x37: {  	[smem:$0x3FB9] =	sst s10  }
0x38: {  	s10 =	sld [smem:$0x3FBA]  }
0x39: {  	_ = 	snop;
	(pc) =	sbr.ind lr, $3  }
0x3a: {  	_ = 	snop  }
0x3b: {  	_ = 	snop  }
0x3c: {  	p2 =	seq.s32 s10, $0x1;
	s10 =	sld [smem:$0x3FB9]  }
0x3d: {  	_ =	shalt  }
0x3e: {  	_ =	shalt  }
0x3f: {  	_ =	shalt  }
0x40: {  	_ =	shalt  }
0x41: {  	_ =	shalt  }
0x42: {  	_ =	shalt  }
0x43: {  	_ =	shalt  }
0x44: {  	_ =	shalt  }
0x45: {  	_ =	shalt  }
0x46: {  	_ =	shalt  }
0x47: {  	_ =	shalt  }
0x48: {  	_ =	shalt  }
0x49: {  	_ =	shalt  }
0x4a: {  	_ =	shalt  }
0x4b: {  	_ =	shalt  }
0x4c: {  	_ =	shalt  }
0x4d: {  	_ =	shalt  }
0x4e: {  	_ =	shalt  }
0x4f: {  	_ =	shalt  }
0x50: {  	_ =	shalt  }
0x51: {  	_ =	shalt  }
0x52: {  	_ =	shalt  }
0x53: {  	_ =	shalt  }
0x54: {  	_ =	shalt  }
0x55: {  	_ =	shalt  }
0x56: {  	_ =	shalt  }
0x57: {  	_ =	shalt  }
0x58: {  	_ =	shalt  }
0x59: {  	_ =	shalt  }
0x5a: {  	_ =	shalt  }
0x5b: {  	_ =	shalt  }
0x5c: {  	_ =	shalt  }
0x5d: {  	_ =	shalt  }
0x5e: {  	_ =	shalt  }
0x5f: {  	_ =	shalt  }
0x60: {  	_ =	shalt  }
0x61: {  	_ =	shalt  }
0x62: {  	_ =	shalt  }
0x63: {  	_ =	shalt  }
0x64: {  	_ =	shalt  }
0x65: {  	_ =	shalt  }
0x66: {  	_ =	shalt  }
0x67: {  	_ =	shalt  }
0x68: {  	_ =	shalt  }
0x69: {  	_ =	shalt  }
0x6a: {  	_ =	shalt  }
0x6b: {  	_ =	shalt  }
0x6c: {  	_ =	shalt  }
0x6d: {  	_ =	shalt  }
0x6e: {  	_ =	shalt  }
0x6f: {  	_ =	shalt  }
0x70: {  	_ =	shalt  }
0x71: {  	_ =	shalt  }
0x72: {  	_ =	shalt  }
0x73: {  	_ =	shalt  }
0x74: {  	_ =	shalt  }
0x75: {  	_ =	shalt  }
0x76: {  	_ =	shalt  }
0x77: {  	_ =	shalt  }
0x78: {  	_ =	shalt  }
0x79: {  	_ =	shalt  }
0x7a: {  	_ =	shalt  }
0x7b: {  	_ =	shalt  }
0x7c: {  	_ =	shalt  }
0x7d: {  	_ =	shalt  }
0x7e: {  	_ =	shalt  }
0x7f: {  	_ =	shalt  }
0x80: {  	_ =	shalt  }
0x81: {  	_ =	shalt  }
0x82: {  	_ =	shalt  }
0x83: {  	_ =	shalt  }
0x84: {  	_ =	shalt  }
0x85: {  	_ =	shalt  }
0x86: {  	_ =	shalt  }
0x87: {  	_ =	shalt  }
.Lfunc_end0:
.L_simem_size_0:
called_computation_lowered:
.L_overlay_start_0:
0x88: {  	s2 =	sld [smem:$0x3FD9]  }
0x89: {  	s3 =	sld [smem:$0x3FFE];
	_ =	sdelay $0x1  }
0x8a: {  	s1 =	srdreg.scid  }
0x8b: {  	s0 =	sand.u32 $0x1, s1  }
0x8c: {  	s16 =	sshll.u32 s0, $0xA;
	s2 =	sadd.s32 s3, s2  }
0x8d: {  	s2 =	sadd.s32 s2, s16  }
0x8e: {  	[smem:$0x3FC5] =	sst s2  }
0x8f: {  	_ = 	snop  }
0x90: {  	(tm) =	ssettm $0x1  }
0x91: {  	s17 =	sld [smem:$0x3FFB];
	_ =	sdelay $0x3  }
0x92: {  	_ =	strace s17  }
0x93: {  	s2 =	sld [smem:$0x3FFC];
	_ =	sdelay $0x3  }
0x94: {  	_ =	strace s2  }
0x95: {  	s2 =	sld [smem:$0x3FFD];
	_ =	sdelay $0x3  }
0x96: {  	_ =	strace s2  }
0x97: {  	_ =	strace $0x8FFFFFFF  }
0x98: {  	s18 =	sld [smem:$0x3FDB];
	_ =	sdelay $0x1  }
0x99: {  	s19 =	simm.s32 $_scs_section_size  }
0x9a: {  	s4 =	simm.s32 $_size__tile_overlayer_lowered;
	s5 =	simm.s32 $_tile_overlayer_lowered  }
0x9b: {  	s22 =	simm.s32 $0x1BFF;
	s21 =	sshll.u32 s5, $0x1;
	s2 =	sadd.s32 s19, s18  }
0x9c: {  	s6 =	simm.s32 $0x0;
	s20 =	sshll.u32 s4, $0x1;
	s4 =	sadd.s32 s21, s2  }
0x9d: {  	[timem:s6], [sflag:s22] =	dma.local [hbm:s4], s20  }
0x9e: {  	_ =	swait.ge [sflag:s22], s20  }
0x9f: {  	s3 =	ssub.s32 $0x0, s20;
	[sflag:s22] =	ssyncset.done $0x0  }
0xa0: {  	[sflag:s22] =	ssyncadd.s32 s3;
	_ =	sdelay $0x1  }
0xa1: {  	s23 =	simm.s32 $0x1B8B  }
0xa2: {  	_ =	swait.ge [sflag:s23], $0x1  }
0xa3: {  	[sflag:s23] =	ssyncset.done $0x0  }
0xa4: {  	s25 =	simm.s32 $0x1B8E;
	s24 =	sld [smem:$0x3FFE];
	[sflag:s23] =	ssyncadd.s32 $0xFFFFFFFF  }
0xa5: {  	s26 =	simm.s32 $execute0_lowered;
	[smem:$0x3FD2] =	sst s25  }
0xa6: {  	s4 =	sshll.u32 s26, $0x1;
	_ =	strace $0x80000046;
	[dreg:$0x1] =	wrdreg $0xFFFFFFFF  }
0xa7: {  	s28 =	simm.s32 $_size_execute0_lowered;
	s2 =	sadd.s32 s2, s4;
	[dreg:$0x0] =	wrdreg $0x0  }
0xa8: {  	s4 =	sshll.u32 s28, $0x1;
	[dreg:$0x2] =	wrdreg s2  }
0xa9: {  	[dreg:$0x3] =	wrdreg s4  }
0xaa: {  	[dreg:$0x4] =	wrdreg $0xC0  }
0xab: {  	_ =	task [dreg:s6], $0x5FFFF  }
0xac: {  	[dreg:$0x1] =	wrdreg $0xFFFFFFFF  }
0xad: {  	[dreg:$0x0] =	wrdreg $0x60  }
0xae: {  	[dreg:$0x2] =	wrdreg s24  }
0xaf: {  	[dreg:$0x3] =	wrdreg $0x9  }
0xb0: {  	_ =	task.clear_ibuf [dreg:s6], $0x4FFFF;
	_ =	strace $0x90000046  }
0xb1: {  	s29 =	simm.s32 $0x9;
	_ =	strace $0x80000048  }
0xb2: {  	_ =	swait.ge [sflag:s29], $0x1  }
0xb3: {  	[sflag:s29] =	ssyncadd.s32 $0xFFFFFFFF  }
0xb4: {  	_ =	strace $0x90000048  }
0xb5: {  	_ =	sfence  }
0xb6: {  	s30 =	sld [smem:$0x0];
	_ =	sdelay $0x2  }
0xb7: {  	s31 =	sshll.u32 s1, $0xD;
	s1 =	sshrl.u32 s1, $0x2  }
0xb8: {  	s3 =	sand.u32 $0x4000, s31;
	s1 =	sadd.s32 s1, s30  }
0xb9: {  	s0 =	sor.u32 s3, s0;
	s1 =	sshll.u32 s1, $0x11  }
0xba: {  	s0 =	sor.u32 s1, s0  }
0xbb: {  	s0 =	sadd.s32 $0x8F2B, s0  }
0xbc: {  	[sflag:s0] =	ssyncadd.remote.s32 $0x1  }
0xbd: {  	_ =	sfence.sel $0xFFFF  }
0xbe: {  	[dreg:$0x0] =	wrdreg $0xFFFFFFFF;
	(pc) =	sbr.abs _section_cstart, $3  }
0xbf: {  	[dreg:$0x1] =	wrdreg $0xFFFFFFFF  }
0xc0: {  	_ =	task.clear_ibuf [dreg:s6], $0x2FFFF;
	_ =	strace $0x9FFFFFFF  }
0xc1: {  	(tm) =	ssettm $0x7FFFFFFF  }
tec
execute0_lowered:
.L_overlay_start_1:
0x0: {  	(tag) =	ssettag $0x1  }
0x1: {  	s1 =	srdreg.scid  }
0x2: {  	s0 =	stileid.u32;
	s2 =	rddreg [dreg:$0x0];
	s6 =	simm.s32 $0x1  }
0x3: {  	s9 =	simm.s32 $0x1;
	s10 =	simm.s32 $0x3;
	s1 =	sshll.u32 s1, $0xA  }
0x4: {  	s13 =	simm.s32 $0x0;
	s3 =	sshll.u32 s0, $0xB;
	s4 =	sand.u32 $0x400, s1  }
0x5: {  	s12 =	simm.s32 $0x0;
	s5 =	sadd.s32 $0xA000, s2;
	s3 =	sor.u32 s3, s4  }
0x6: {  	s1 =	rddreg [dreg:$0x1];
	_ =	strace $0x80000047;
	s8 =	ssub.s32 $0x10000, s3  }
.Ltmp0:
0x7: {  	s4 =	sadd.s32 $0x4000, s2;
	s7 =	sand.u32 $0x7C00, s8;
	(pc) =	sbr.rel .LBB2_1-.Ltmp0, $4  }
0x8: {  	[sflag:s6] =	ssyncpa.u1 $0x0;
	s11 =	smov.u32 s3;
	p0 =	sne.s32 s7, $0x0  }
0x9: {  	s8 =	sshrl.u32 s8, $0xF;
	s7 =	simm.s32 $0x2;
	s9 =	simm.s32 @!p0 $0x0  }
0xa: {  	[sflag:s7] =	ssyncpa.u1 $0x0;
	p0 =	por $0x0, $0x0;
	s8 =	sadd.s32 s9, s8  }
0xb: {  	vm0 =	vmmov $0xffff;
	[sflag:s10] =	ssyncpa.u1 $0x0;
	s10 =	simm.s32 $0x0;
	s9 =	sadd.s32 $0x1, s8  }
.LBB2_4:
0xc: {  	vm1 =	veq.s32 v0, $0x80000000;
	v63 =	vand.u32 $0x3F, v0;
	v2 =	vand.u32 $0x3FF, v2  }
0xd: {  	v0 =	vsel vm1, $0xFFFFFFFF, v63;
	v2 =	vsel vm1, $0xFFFFFFFF, v2  }
0xe: {  	v3 =	vshll.u32 v0, $0xA;
	v4 =	vshll.u32 v2, $0x3  }
0xf: {  	v0 =	vshll.u32 v0, $0x7;
	v3 =	vand.u32 $0xFFFFE000, v3;
	v4 =	vand.u32 $0xFFFFFC00, v4  }
0x10: {  	v0 =	vand.u32 $0x380, v0;
	v3 =	vadd.s32 v3, v4  }
0x11: {  	v2 =	vand.u32 $0x7F, v2;
	v0 =	vor.u32 v0, v3  }
0x12: {  	v0 =	vor.u32 v2, v0;
	_ =	sdelay $0x1  }
0x13: {  	(ifvalue) =	ssetifvalue $0x7FFFFFFF;
	s14 =	sadd.s32 $0x10, s14  }
0x14: {  	[tilespmem:s14], [sflag:$0x1] =	stream.indirect_vreg.gather [hbm4b:s2+s10], $0x1, v1, vm0, $0x4038;
	[tilespmem:$0x1000] =	vst v63  }
0x15: {  	(ifvalue) =	ssetifvalue $0x7FFFFFFF;
	s14 =	sadd.s32 $0x10, s14  }
0x16: {  	[tilespmem:s14], [sflag:$0x1] =	stream.indirect_vreg.gather [hbm4b:s2+s10], $0x1, v0, vm0, $0x4038;
	[tilespmem:$0x1000] =	vst v63  }
0x17: {  	_ =	swait.ge [sflag:s6], $0x400  }
0x18: {  	s30 =	sshrl.u32 s13, $0x3;
	[sflag:s6] =	ssyncset.done $0x0  }
0x19: {  	s31 =	sand.u32 $0x7, s13;
	s14 =	sadd.s32 s5, s30;
	[sflag:s6] =	ssyncadd.s32 $0xFFFFFC00  }
0x1a: {  	[hbm4b:s14+s31] =	stream.linear.scatter [tilespmem:s15], [sflag:$0x3], $0x400, $0x38;
	[tilespmem:$0x1000] =	vst v63  }
.LBB2_5:
0x1b: {  	s15 =	sadd.s32 $0x8000, s11  }
0x1c: {  	p2 =	sgt.s32 s15, $0xFFFF  }
0x1d: {  	s15 =	smov.u32 @p2 s3;
	p2 =	sne.s32 s12, s9  }
.Ltmp1:
0x1e: {  	p1 =	slt.u32 s12, $0x2;
	(pc) =	sbr.rel @!p2 .LBB2_6-.Ltmp1, $4  }
0x1f: {  	s14 =	simm.s32 @!p1 $0x3  }
0x20: {  	s16 =	sadd.s32 $0x1, s12;
	_ =	swait.ge @!p1 [sflag:s14], $0x400  }
0x21: {  	s13 =	smov.u32 s11;
	p0 =	por !p0, !p0;
	[sflag:s14] =	ssyncset.done @!p1 $0x0  }
0x22: {  	s12 =	smov.u32 s16;
	s11 =	smov.u32 s15;
	[sflag:s14] =	ssyncadd.s32 @!p1 $0xFFFFFC00  }
.LBB2_1:
0x23: {  	p1 =	sge.u32 s12, s8  }
0x24: {  	s14 =	sxor.u32 @!p1 $0xFFFFFFFF, s12  }
0x25: {  	s31 =	sadd.s32 $0xFFFFFFFF, s12;
	s15 =	sshrl.u32 @!p1 s11, $0x3;
	s14 =	sshll.u32 @!p1 s14, $0xA  }
0x26: {  	s16 =	sand.u32 @!p1 $0x7, s11;
	s15 =	sadd.s32 @!p1 s4, s15;
	s14 =	sand.u32 @!p1 $0x400, s14  }
0x27: {  	[tilespmem:s14], [sflag:$0x2] =	stream.linear.gather @!p1 [hbm4b:s15+s16], $0x400, $0x38;
	[tilespmem:$0x1000] =	vst v63  }
0x28: {  	p1 =	sge.u32 s31, s8  }
.Ltmp2:
0x29: {  	_ = 	snop;
	(pc) =	sbr.rel @p1 .LBB2_5-.Ltmp2, $1  }
0x2a: {  	_ =	sdelay $0x3  }
0x2b: {  	s14 =	simm.s32 $0x1  }
0x2c: {  	_ =	swait.ge [sflag:s7], $0x400;
	s14 =	simm.s32 @!p0 $0x0  }
0x2d: {  	[sflag:s7] =	ssyncset.done $0x0;
	s14 =	sshll.u32 s14, $0xA  }
0x2e: {  	[sflag:s7] =	ssyncadd.s32 $0xFFFFFC00;
	(ifvalue) =	ssetifvalue $0x7FFFFFFF;
	v0 =	vld.msk [tilespmem:s14+$0x0 ss:$0x1], $0xffff;
	_ =	sdelay $0x3  }
0x2f: {  	s15 =	sadd.s32 $0x10, s14  }
0x30: {  	v2 =	vld.msk [tilespmem:s15+$0x0 ss:$0x1], $0xffff;
	v1 =	vshrl.u32 v0, $0x6  }
0x31: {  	vm1 =	veq.s32 v0, $0x80000000;
	v0 =	vand.u32 $0x3F, v0;
	v1 =	vand.u32 $0x3FF, v1  }
0x32: {  	v0 =	vsel vm1, $0xFFFFFFFF, v0;
	v1 =	vsel vm1, $0xFFFFFFFF, v1  }
0x33: {  	v3 =	vshll.u32 v0, $0xA;
	v4 =	vshll.u32 v1, $0x3  }
0x34: {  	v0 =	vshll.u32 v0, $0x7;
	v3 =	vand.u32 $0xFFFFE000, v3;
	v4 =	vand.u32 $0xFFFFFC00, v4  }
0x35: {  	vm1 =	veq.s32 v2, $0x80000000;
	v0 =	vand.u32 $0x380, v0;
	v3 =	vadd.s32 v3, v4  }
0x36: {  	v1 =	vand.u32 $0x7F, v1;
	v0 =	vor.u32 v0, v3;
	v3 =	vshrl.u32 v2, $0x6  }
0x37: {  	s17 =	sadd.s32 $0x10, s15;
	v2 =	vand.u32 $0x3F, v2;
	v1 =	vor.u32 v1, v0;
	v3 =	vand.u32 $0x3FF, v3  }
0x38: {  	v0 =	vld.msk [tilespmem:s17+$0x0 ss:$0x1], $0xffff;
	v2 =	vsel vm1, $0xFFFFFFFF, v2;
	v3 =	vsel vm1, $0xFFFFFFFF, v3  }
0x39: {  	v63 =	vshll.u32 v2, $0xA;
	v5 =	vshll.u32 v3, $0x3  }
0x3a: {  	s31 =	sshll.u32 s12, $0xA;
	v2 =	vshll.u32 v2, $0x7;
	v4 =	vand.u32 $0xFFFFE000, v63;
	v5 =	vand.u32 $0xFFFFFC00, v5  }
0x3b: {  	s14 =	sor.u32 $0x800, s14;
	s15 =	sand.u32 $0x400, s31;
	(ifvalue) =	ssetifvalue $0x7FFFFFFF;
	v2 =	vand.u32 $0x380, v2;
	v4 =	vadd.s32 v4, v5  }
0x3c: {  	[tilespmem:s14], [sflag:$0x1] =	stream.indirect_vreg.gather [hbm4b:s2+s10], $0x1, v1, vm0, $0x4038;
	v1 =	vand.u32 $0x7F, v3;
	v3 =	vor.u32 v2, v4;
	[tilespmem:$0x1000] =	vst v63  }
0x3d: {  	s16 =	simm.s32 $0x20;
	s15 =	sor.u32 $0x800, s15;
	s17 =	sadd.s32 $0x10, s17;
	v2 =	vshrl.u32 v0, $0x6;
	v1 =	vor.u32 v1, v3  }
.LBB2_3:
0x3e: {  	s16 =	sadd.s32 $0x10, s16;
	vm1 =	veq.s32 v0, $0x80000000;
	v3 =	vand.u32 $0x3F, v0;
	v0 =	vld.msk [tilespmem:s17+$0x0 ss:$0x1], $0xffff;
	v2 =	vand.u32 $0x3FF, v2  }
0x3f: {  	p1 =	slt.u32 s16, $0x3F0;
	v3 =	vsel vm1, $0xFFFFFFFF, v3;
	v2 =	vsel vm1, $0xFFFFFFFF, v2  }
.Ltmp3:
0x40: {  	v4 =	vshll.u32 v3, $0xA;
	v5 =	vshll.u32 v2, $0x3;
	(pc) =	sbr.rel @p1 .LBB2_3-.Ltmp3, $4  }
0x41: {  	s14 =	sadd.s32 $0x10, s14;
	v3 =	vshll.u32 v3, $0x7;
	v4 =	vand.u32 $0xFFFFE000, v4;
	v5 =	vand.u32 $0xFFFFFC00, v5;
	(ifvalue) =	ssetifvalue $0x7FFFFFFF  }
0x42: {  	v3 =	vand.u32 $0x380, v3;
	v4 =	vadd.s32 v4, v5;
	[tilespmem:s14], [sflag:$0x1] =	stream.indirect_vreg.gather [hbm4b:s2+s10], $0x1, v1, vm0, $0x4038;
	[tilespmem:$0x1000] =	vst v63  }
0x43: {  	v1 =	vand.u32 $0x7F, v2;
	v3 =	vor.u32 v3, v4  }
0x44: {  	s17 =	sadd.s32 $0x10, s17;
	v2 =	vshrl.u32 v0, $0x6;
	v1 =	vor.u32 v1, v3  }
.Ltmp4:
0x45: {  	_ = 	snop;
	(pc) =	sbr.rel .LBB2_4-.Ltmp4, $1  }
0x46: {  	_ =	sdelay $0x3  }
.LBB2_6:
0x47: {  	_ =	sfence.sel $0x180000  }
0x48: {  	s2 =	simm.s32 $0x2;
	[bflag:$0x0] =	sbarrier.arrive $0xFFFF  }
0x49: {  	s30 =	simm.s32 $0x3;
	[sflag:s2] =	ssyncpa.u1 $0x1  }
0x4a: {  	s31 =	simm.s32 $0x1;
	[sflag:s30] =	ssyncpa.u1 $0x1  }
0x4b: {  	[sflag:s31] =	ssyncpa.u1 $0x1  }
0x4c: {  	p0 =	sne.s32 s0, $0x0;
	_ =	strace $0x90000047  }
0x4d: {  	s0 =	sadd.s32 @!p0 $0x100000, s1;
	[bflag:$0x2] =	sbarrier.arrive $0xFFFF  }
0x4e: {  	[sflag:s0] =	ssyncadd.tile.s32 @!p0 $0x1;
	_ =	shalt  }
.Lfunc_end2:
_tile_overlayer_lowered:
.L_overlay_start_2:
0x4f: {  	(tag) =	ssettag $0x2  }
0x50: {  	s0 =	rddreg [dreg:$0x0];
	s2 =	stileid.u32  }
0x51: {  	s1 =	rddreg [dreg:$0x1];
	p0 =	sne.s32 s2, $0x0  }
0x52: {  	s3 =	rddreg [dreg:$0x2];
	[bflag:$0x3] =	sbarrier.arrive $0xFFFF;
	s2 =	simm.s32 @!p0 $0x1C01  }
0x53: {  	[timem:s3], [sflag:s2] =	dma.local @!p0 [hbm:s0], s1  }
0x54: {  	s0 =	simm.s32 @!p0 $0x1  }
0x55: {  	_ =	swait.ge @!p0 [sflag:s0], s1  }
0x56: {  	s1 =	ssub.s32 @!p0 $0x0, s1;
	[sflag:s0] =	ssyncset.done @!p0 $0x0  }
0x57: {  	[sflag:s0] =	ssyncadd.s32 @!p0 s1  }
0x58: {  	[bflag:$0x3] =	sbarrier.arrive $0xFFFF  }
0x59: {  	_ =	shalt  }

</sc_bundles>
